<compile_context>
chip_gen: v7x
topology: tpu7x:2x2x1
jax: 0.10.2.dev20260603
libtpu: 0.0.44.dev20260713+nightly
codegen_flags: <defaults>
</compile_context>

<pallas_src>
import functools

import jax
import jax.numpy as jnp
from jax import lax
from jax.experimental import pallas as pl
from jax.experimental.pallas import tpu as pltpu
from jax.experimental.pallas import tpu_sc as plsc

N_EXP = 8
TOKEN_BLOCK = 2048
LANES = 16


def _score_body(x_ref, wt_ref, s_out_ref):
    x = x_ref[...]
    w = wt_ref[...]
    s = jax.lax.dot_general(
        w, x, (((1,), (1,)), ((), ())),
        preferred_element_type=jnp.float32)
    m = jnp.max(s, axis=0, keepdims=True)
    e = jnp.exp(s - m)
    s_out_ref[...] = e / jnp.sum(e, axis=0, keepdims=True)


def _scores_t(x, weight):
    n_tokens, dim = x.shape
    grid = (n_tokens // TOKEN_BLOCK,)
    return pl.pallas_call(
        _score_body,
        grid=grid,
        in_specs=[
            pl.BlockSpec((TOKEN_BLOCK, dim), lambda i: (i, 0)),
            pl.BlockSpec((N_EXP, dim), lambda i: (0, 0)),
        ],
        out_specs=pl.BlockSpec((N_EXP, TOKEN_BLOCK), lambda i: (0, i)),
        out_shape=jax.ShapeDtypeStruct((N_EXP, n_tokens), jnp.float32),
        compiler_params=pltpu.CompilerParams(
            dimension_semantics=("parallel",),
        ),
    )(x, weight)


def _route_tec(s_hbm, w1_hbm, w2_hbm, i1_hbm, i2_hbm,
               s_v, w1_v, w2_v, i1_v, i2_v, *, tok_per_w):
    nc = 2
    wid = lax.axis_index("s") * nc + lax.axis_index("c")
    base = wid * tok_per_w
    pltpu.sync_copy(s_hbm.at[:, pl.ds(base, tok_per_w)], s_v)

    def step(i, _):
        off = i * LANES
        p = [s_v[e, pl.ds(off, LANES)] for e in range(N_EXP)]

        m1 = p[0]
        for e in range(1, N_EXP):
            m1 = jnp.maximum(m1, p[e])
        idx1 = jnp.full((LANES,), 0, jnp.int32)
        for e in range(N_EXP - 1, -1, -1):
            idx1 = jnp.where(p[e] == m1, jnp.full((LANES,), e, jnp.int32),
                             idx1)
        neg = jnp.full((LANES,), -1.0, jnp.float32)
        p2 = [jnp.where(idx1 == e, neg, p[e]) for e in range(N_EXP)]
        m2 = p2[0]
        for e in range(1, N_EXP):
            m2 = jnp.maximum(m2, p2[e])
        idx2 = jnp.full((LANES,), 0, jnp.int32)
        for e in range(N_EXP - 1, -1, -1):
            idx2 = jnp.where(p2[e] == m2, jnp.full((LANES,), e, jnp.int32),
                             idx2)

        w1_v[pl.ds(off, LANES)] = m1
        w2_v[pl.ds(off, LANES)] = m2
        i1_v[pl.ds(off, LANES)] = idx1
        i2_v[pl.ds(off, LANES)] = idx2
        return _

    lax.fori_loop(0, tok_per_w // LANES, step, 0)
    pltpu.sync_copy(w1_v, w1_hbm.at[pl.ds(base, tok_per_w)])
    pltpu.sync_copy(w2_v, w2_hbm.at[pl.ds(base, tok_per_w)])
    pltpu.sync_copy(i1_v, i1_hbm.at[pl.ds(base, tok_per_w)])
    pltpu.sync_copy(i2_v, i2_hbm.at[pl.ds(base, tok_per_w)])


def _route_sc(scores_t):
    n_exp, n_tokens = scores_t.shape
    n_cores, n_subcores = 2, 16
    tok_per_w = n_tokens // (n_cores * n_subcores)
    mesh = plsc.VectorSubcoreMesh(
        core_axis_name="c", subcore_axis_name="s",
        num_cores=n_cores, num_subcores=n_subcores)
    k = pl.kernel(
        functools.partial(_route_tec, tok_per_w=tok_per_w),
        out_type=[
            jax.ShapeDtypeStruct((n_tokens,), jnp.float32),
            jax.ShapeDtypeStruct((n_tokens,), jnp.float32),
            jax.ShapeDtypeStruct((n_tokens,), jnp.int32),
            jax.ShapeDtypeStruct((n_tokens,), jnp.int32),
        ],
        mesh=mesh,
        scratch_types=[
            pltpu.VMEM((n_exp, tok_per_w), jnp.float32),
            pltpu.VMEM((tok_per_w,), jnp.float32),
            pltpu.VMEM((tok_per_w,), jnp.float32),
            pltpu.VMEM((tok_per_w,), jnp.int32),
            pltpu.VMEM((tok_per_w,), jnp.int32),
        ],
    )
    w1, w2, i1, i2 = k(scores_t)
    return (jnp.stack([w1, w2], axis=1), jnp.stack([i1, i2], axis=1))


def kernel(x, weight):
    scores_t = _scores_t(x, weight)
    weights, indices = _route_sc(scores_t)
    return weights, indices

# --- scband reference (transcript-rebuilt; emitter-appended) ---
"""Pipeline reference for scband-lorentz-gate-68289980007141 (READ-ONLY COPY).

The authoritative reference and input builder live on the scoring server;
editing this copy changes nothing except your own understanding.
"""

import jax, jax.numpy as jnp
import numpy as np

DIM = 2048
N_EXPERTS = 8
TOPK = 2
ROUTE_SCALE = 1.0
N_TOKENS = 16384


def setup_inputs(seed: int = 0) -> dict:
    key = jax.random.key(seed)
    k1, k2 = jax.random.split(key)
    x = jax.random.normal(k1, (N_TOKENS, DIM), dtype=jnp.float32)
    weight = jax.random.normal(k2, (N_EXPERTS, DIM), dtype=jnp.float32) * 0.02
    return {"x": x, "weight": weight}


def reference(x, weight):
    # scores = F.linear(x, weight)
    scores = x @ weight.T
    # score_func == 'softmax', computed in float32
    scores = jax.nn.softmax(scores.astype(jnp.float32), axis=-1)
    original_scores = scores
    # bias is None (dim != 7168); n_groups == 1 so group-limited routing is skipped
    _, indices = jax.lax.top_k(scores, TOPK)
    weights = jnp.take_along_axis(original_scores, indices, axis=1)
    weights = weights * ROUTE_SCALE
    return weights.astype(x.dtype), indices

if __name__ == "__main__":
    import jax
    _d = setup_inputs()
    print(jax.jit(kernel)(*tuple(_d.values())))

</pallas_src>

<mosaic_0001>
#map = affine_map<(d0, d1) -> (0, 0)>
#map1 = affine_map<(d0, d1) -> (0)>
module attributes {stable_mosaic.version = 14 : i64} {
  func.func @_route_tec(%arg0: i32, %arg1: i32, %arg2: memref<8x16384xf32, #tpu.memory_space<hbm>>, %arg3: memref<16384xf32, #tpu.memory_space<hbm>>, %arg4: memref<16384xf32, #tpu.memory_space<hbm>>, %arg5: memref<16384xi32, #tpu.memory_space<hbm>>, %arg6: memref<16384xi32, #tpu.memory_space<hbm>>, %arg7: memref<8x512xf32, #tpu.memory_space<vmem>>, %arg8: memref<512xf32, #tpu.memory_space<vmem>>, %arg9: memref<512xf32, #tpu.memory_space<vmem>>, %arg10: memref<512xi32, #tpu.memory_space<vmem>>, %arg11: memref<512xi32, #tpu.memory_space<vmem>>) attributes {dimension_semantics = [#tpu.dimension_semantics<core_parallel>, #tpu.dimension_semantics<subcore_parallel>], iteration_bounds = array<i64: 2, 16>, scalar_prefetch = 0 : i64, scratch_operands = 5 : i64, tpu.core_type = #tpu.core_type<sc_vector_subcore>, window_params = [{transform_indices = #map}, {transform_indices = #map1}, {transform_indices = #map1}, {transform_indices = #map1}, {transform_indices = #map1}]} {
    %mul3A = arith.constant 2 : i32
    %mul3A_0 = arith.muli %arg1, %mul3A : i32
    %add3A = arith.addi %mul3A_0, %arg0 : i32
    %mul3A_1 = arith.constant 512 : i32
    %mul3A_2 = arith.muli %add3A, %mul3A_1 : i32
    "tpu.region"() ({
      %run_scoped3A = tpu.sem_alloc : memref<!tpu.dma_semaphore, #tpu.memory_space<semaphore_mem>>
      %dma_start3A = arith.constant 0 : i32
      %dma_start3A_8 = tpu.memref_slice %arg2[%dma_start3A, %mul3A_2] : memref<8x16384xf32, #tpu.memory_space<hbm>> -> memref<8x512xf32, #tpu.memory_space<hbm>>
      %dma_start3A_9 = arith.constant 0 : i32
      %dma_start3A_10 = tpu.memref_slice %arg2[%dma_start3A_9, %mul3A_2] : memref<8x16384xf32, #tpu.memory_space<hbm>> -> memref<8x512xf32, #tpu.memory_space<hbm>>
      tpu.enqueue_dma source(%dma_start3A_10 : memref<8x512xf32, #tpu.memory_space<hbm>>) target(%arg7 : memref<8x512xf32, #tpu.memory_space<vmem>>) target_semaphore(%run_scoped3A : memref<!tpu.dma_semaphore, #tpu.memory_space<semaphore_mem>>)
      %dma_wait3A = arith.constant 0 : i32
      %dma_wait3A_11 = tpu.memref_slice %arg2[%dma_wait3A, %mul3A_2] : memref<8x16384xf32, #tpu.memory_space<hbm>> -> memref<8x512xf32, #tpu.memory_space<hbm>>
      %dma_wait3A_12 = arith.constant 0 : i32
      %dma_wait3A_13 = tpu.memref_slice %arg2[%dma_wait3A_12, %mul3A_2] : memref<8x16384xf32, #tpu.memory_space<hbm>> -> memref<8x512xf32, #tpu.memory_space<hbm>>
      tpu.wait_dma2 semaphore(%run_scoped3A : memref<!tpu.dma_semaphore, #tpu.memory_space<semaphore_mem>>) src(%dma_wait3A_13 : memref<8x512xf32, #tpu.memory_space<hbm>>) dst(%arg7 : memref<8x512xf32, #tpu.memory_space<vmem>>)
      tpu.yield
    }) : () -> ()
    %scan3A = arith.constant 0 : i32
    %scan3A_3 = arith.constant 0 : i32
    %scan3A_4 = arith.constant 32 : i32
    %scan3A_5 = arith.addi %scan3A_3, %scan3A_4 : i32
    %scan3A_6 = arith.constant 1 : i32
    scf.for %scan3A_8 = %scan3A_3 to %scan3A_5 step %scan3A_6  : i32 {
      %mul3A_9 = arith.constant 16 : i32
      %mul3A_10 = arith.muli %scan3A_8, %mul3A_9 : i32
      %get3A = arith.constant 0 : i32
      %get3A_11 = arith.index_cast %get3A : i32 to index
      %get3A_12 = arith.index_cast %mul3A_10 : i32 to index
      %get3A_13 = tpu.vector_load %arg7[%get3A_11, %get3A_12] {strides = array<i32>} : memref<8x512xf32, #tpu.memory_space<vmem>>, vector<1x16xf32>,
      %get3A_14 = vector.shape_cast %get3A_13 : vector<1x16xf32> to vector<16xf32>
      %get3A_15 = arith.constant 1 : i32
      %get3A_16 = arith.index_cast %get3A_15 : i32 to index
      %get3A_17 = arith.index_cast %mul3A_10 : i32 to index
      %get3A_18 = tpu.vector_load %arg7[%get3A_16, %get3A_17] {strides = array<i32>} : memref<8x512xf32, #tpu.memory_space<vmem>>, vector<1x16xf32>,
      %get3A_19 = vector.shape_cast %get3A_18 : vector<1x16xf32> to vector<16xf32>
      %get3A_20 = arith.constant 2 : i32
      %get3A_21 = arith.index_cast %get3A_20 : i32 to index
      %get3A_22 = arith.index_cast %mul3A_10 : i32 to index
      %get3A_23 = tpu.vector_load %arg7[%get3A_21, %get3A_22] {strides = array<i32>} : memref<8x512xf32, #tpu.memory_space<vmem>>, vector<1x16xf32>,
      %get3A_24 = vector.shape_cast %get3A_23 : vector<1x16xf32> to vector<16xf32>
      %get3A_25 = arith.constant 3 : i32
      %get3A_26 = arith.index_cast %get3A_25 : i32 to index
      %get3A_27 = arith.index_cast %mul3A_10 : i32 to index
      %get3A_28 = tpu.vector_load %arg7[%get3A_26, %get3A_27] {strides = array<i32>} : memref<8x512xf32, #tpu.memory_space<vmem>>, vector<1x16xf32>,
      %get3A_29 = vector.shape_cast %get3A_28 : vector<1x16xf32> to vector<16xf32>
      %get3A_30 = arith.constant 4 : i32
      %get3A_31 = arith.index_cast %get3A_30 : i32 to index
      %get3A_32 = arith.index_cast %mul3A_10 : i32 to index
      %get3A_33 = tpu.vector_load %arg7[%get3A_31, %get3A_32] {strides = array<i32>} : memref<8x512xf32, #tpu.memory_space<vmem>>, vector<1x16xf32>,
      %get3A_34 = vector.shape_cast %get3A_33 : vector<1x16xf32> to vector<16xf32>
      %get3A_35 = arith.constant 5 : i32
      %get3A_36 = arith.index_cast %get3A_35 : i32 to index
      %get3A_37 = arith.index_cast %mul3A_10 : i32 to index
      %get3A_38 = tpu.vector_load %arg7[%get3A_36, %get3A_37] {strides = array<i32>} : memref<8x512xf32, #tpu.memory_space<vmem>>, vector<1x16xf32>,
      %get3A_39 = vector.shape_cast %get3A_38 : vector<1x16xf32> to vector<16xf32>
      %get3A_40 = arith.constant 6 : i32
      %get3A_41 = arith.index_cast %get3A_40 : i32 to index
      %get3A_42 = arith.index_cast %mul3A_10 : i32 to index
      %get3A_43 = tpu.vector_load %arg7[%get3A_41, %get3A_42] {strides = array<i32>} : memref<8x512xf32, #tpu.memory_space<vmem>>, vector<1x16xf32>,
      %get3A_44 = vector.shape_cast %get3A_43 : vector<1x16xf32> to vector<16xf32>
      %get3A_45 = arith.constant 7 : i32
      %get3A_46 = arith.index_cast %get3A_45 : i32 to index
      %get3A_47 = arith.index_cast %mul3A_10 : i32 to index
      %get3A_48 = tpu.vector_load %arg7[%get3A_46, %get3A_47] {strides = array<i32>} : memref<8x512xf32, #tpu.memory_space<vmem>>, vector<1x16xf32>,
      %get3A_49 = vector.shape_cast %get3A_48 : vector<1x16xf32> to vector<16xf32>
      %max3A = arith.maximumf %get3A_14, %get3A_19 : vector<16xf32>
      %max3A_50 = arith.maximumf %max3A, %get3A_24 : vector<16xf32>
      %max3A_51 = arith.maximumf %max3A_50, %get3A_29 : vector<16xf32>
      %max3A_52 = arith.maximumf %max3A_51, %get3A_34 : vector<16xf32>
      %max3A_53 = arith.maximumf %max3A_52, %get3A_39 : vector<16xf32>
      %max3A_54 = arith.maximumf %max3A_53, %get3A_44 : vector<16xf32>
      %max3A_55 = arith.maximumf %max3A_54, %get3A_49 : vector<16xf32>
      %broadcast_in_dim3A = arith.constant 0 : i32
      %broadcast_in_dim3A_56 = vector.broadcast %broadcast_in_dim3A : i32 to vector<16xi32>
      %eq3A = arith.cmpf oeq, %get3A_49, %max3A_55 : vector<16xf32>
      %broadcast_in_dim3A_57 = arith.constant 7 : i32
      %broadcast_in_dim3A_58 = vector.broadcast %broadcast_in_dim3A_57 : i32 to vector<16xi32>
      %select_n3A = arith.select %eq3A, %broadcast_in_dim3A_58, %broadcast_in_dim3A_56 : vector<16xi1>, vector<16xi32>
      %eq3A_59 = arith.cmpf oeq, %get3A_44, %max3A_55 : vector<16xf32>
      %broadcast_in_dim3A_60 = arith.constant 6 : i32
      %broadcast_in_dim3A_61 = vector.broadcast %broadcast_in_dim3A_60 : i32 to vector<16xi32>
      %select_n3A_62 = arith.select %eq3A_59, %broadcast_in_dim3A_61, %select_n3A : vector<16xi1>, vector<16xi32>
      %eq3A_63 = arith.cmpf oeq, %get3A_39, %max3A_55 : vector<16xf32>
      %broadcast_in_dim3A_64 = arith.constant 5 : i32
      %broadcast_in_dim3A_65 = vector.broadcast %broadcast_in_dim3A_64 : i32 to vector<16xi32>
      %select_n3A_66 = arith.select %eq3A_63, %broadcast_in_dim3A_65, %select_n3A_62 : vector<16xi1>, vector<16xi32>
      %eq3A_67 = arith.cmpf oeq, %get3A_34, %max3A_55 : vector<16xf32>
      %broadcast_in_dim3A_68 = arith.constant 4 : i32
      %broadcast_in_dim3A_69 = vector.broadcast %broadcast_in_dim3A_68 : i32 to vector<16xi32>
      %select_n3A_70 = arith.select %eq3A_67, %broadcast_in_dim3A_69, %select_n3A_66 : vector<16xi1>, vector<16xi32>
      %eq3A_71 = arith.cmpf oeq, %get3A_29, %max3A_55 : vector<16xf32>
      %broadcast_in_dim3A_72 = arith.constant 3 : i32
      %broadcast_in_dim3A_73 = vector.broadcast %broadcast_in_dim3A_72 : i32 to vector<16xi32>
      %select_n3A_74 = arith.select %eq3A_71, %broadcast_in_dim3A_73, %select_n3A_70 : vector<16xi1>, vector<16xi32>
      %eq3A_75 = arith.cmpf oeq, %get3A_24, %max3A_55 : vector<16xf32>
      %broadcast_in_dim3A_76 = arith.constant 2 : i32
      %broadcast_in_dim3A_77 = vector.broadcast %broadcast_in_dim3A_76 : i32 to vector<16xi32>
      %select_n3A_78 = arith.select %eq3A_75, %broadcast_in_dim3A_77, %select_n3A_74 : vector<16xi1>, vector<16xi32>
      %eq3A_79 = arith.cmpf oeq, %get3A_19, %max3A_55 : vector<16xf32>
      %broadcast_in_dim3A_80 = arith.constant 1 : i32
      %broadcast_in_dim3A_81 = vector.broadcast %broadcast_in_dim3A_80 : i32 to vector<16xi32>
      %select_n3A_82 = arith.select %eq3A_79, %broadcast_in_dim3A_81, %select_n3A_78 : vector<16xi1>, vector<16xi32>
      %eq3A_83 = arith.cmpf oeq, %get3A_14, %max3A_55 : vector<16xf32>
      %broadcast_in_dim3A_84 = arith.constant 0 : i32
      %broadcast_in_dim3A_85 = vector.broadcast %broadcast_in_dim3A_84 : i32 to vector<16xi32>
      %select_n3A_86 = arith.select %eq3A_83, %broadcast_in_dim3A_85, %select_n3A_82 : vector<16xi1>, vector<16xi32>
      %broadcast_in_dim3A_87 = arith.constant -1.000000e+00 : f32
      %broadcast_in_dim3A_88 = vector.broadcast %broadcast_in_dim3A_87 : f32 to vector<16xf32>
      %eq3A_89 = arith.constant 0 : i32
      %eq3A_90 = vector.broadcast %eq3A_89 : i32 to vector<16xi32>
      %eq3A_91 = arith.cmpi eq, %select_n3A_86, %eq3A_90 : vector<16xi32>
      %select_n3A_92 = arith.select %eq3A_91, %broadcast_in_dim3A_88, %get3A_14 : vector<16xi1>, vector<16xf32>
      %eq3A_93 = arith.constant 1 : i32
      %eq3A_94 = vector.broadcast %eq3A_93 : i32 to vector<16xi32>
      %eq3A_95 = arith.cmpi eq, %select_n3A_86, %eq3A_94 : vector<16xi32>
      %select_n3A_96 = arith.select %eq3A_95, %broadcast_in_dim3A_88, %get3A_19 : vector<16xi1>, vector<16xf32>
      %eq3A_97 = arith.constant 2 : i32
      %eq3A_98 = vector.broadcast %eq3A_97 : i32 to vector<16xi32>
      %eq3A_99 = arith.cmpi eq, %select_n3A_86, %eq3A_98 : vector<16xi32>
      %select_n3A_100 = arith.select %eq3A_99, %broadcast_in_dim3A_88, %get3A_24 : vector<16xi1>, vector<16xf32>
      %eq3A_101 = arith.constant 3 : i32
      %eq3A_102 = vector.broadcast %eq3A_101 : i32 to vector<16xi32>
      %eq3A_103 = arith.cmpi eq, %select_n3A_86, %eq3A_102 : vector<16xi32>
      %select_n3A_104 = arith.select %eq3A_103, %broadcast_in_dim3A_88, %get3A_29 : vector<16xi1>, vector<16xf32>
      %eq3A_105 = arith.constant 4 : i32
      %eq3A_106 = vector.broadcast %eq3A_105 : i32 to vector<16xi32>
      %eq3A_107 = arith.cmpi eq, %select_n3A_86, %eq3A_106 : vector<16xi32>
      %select_n3A_108 = arith.select %eq3A_107, %broadcast_in_dim3A_88, %get3A_34 : vector<16xi1>, vector<16xf32>
      %eq3A_109 = arith.constant 5 : i32
      %eq3A_110 = vector.broadcast %eq3A_109 : i32 to vector<16xi32>
      %eq3A_111 = arith.cmpi eq, %select_n3A_86, %eq3A_110 : vector<16xi32>
      %select_n3A_112 = arith.select %eq3A_111, %broadcast_in_dim3A_88, %get3A_39 : vector<16xi1>, vector<16xf32>
      %eq3A_113 = arith.constant 6 : i32
      %eq3A_114 = vector.broadcast %eq3A_113 : i32 to vector<16xi32>
      %eq3A_115 = arith.cmpi eq, %select_n3A_86, %eq3A_114 : vector<16xi32>
      %select_n3A_116 = arith.select %eq3A_115, %broadcast_in_dim3A_88, %get3A_44 : vector<16xi1>, vector<16xf32>
      %eq3A_117 = arith.constant 7 : i32
      %eq3A_118 = vector.broadcast %eq3A_117 : i32 to vector<16xi32>
      %eq3A_119 = arith.cmpi eq, %select_n3A_86, %eq3A_118 : vector<16xi32>
      %select_n3A_120 = arith.select %eq3A_119, %broadcast_in_dim3A_88, %get3A_49 : vector<16xi1>, vector<16xf32>
      %max3A_121 = arith.maximumf %select_n3A_92, %select_n3A_96 : vector<16xf32>
      %max3A_122 = arith.maximumf %max3A_121, %select_n3A_100 : vector<16xf32>
      %max3A_123 = arith.maximumf %max3A_122, %select_n3A_104 : vector<16xf32>
      %max3A_124 = arith.maximumf %max3A_123, %select_n3A_108 : vector<16xf32>
      %max3A_125 = arith.maximumf %max3A_124, %select_n3A_112 : vector<16xf32>
      %max3A_126 = arith.maximumf %max3A_125, %select_n3A_116 : vector<16xf32>
      %max3A_127 = arith.maximumf %max3A_126, %select_n3A_120 : vector<16xf32>
      %broadcast_in_dim3A_128 = arith.constant 0 : i32
      %broadcast_in_dim3A_129 = vector.broadcast %broadcast_in_dim3A_128 : i32 to vector<16xi32>
      %eq3A_130 = arith.cmpf oeq, %select_n3A_120, %max3A_127 : vector<16xf32>
      %broadcast_in_dim3A_131 = arith.constant 7 : i32
      %broadcast_in_dim3A_132 = vector.broadcast %broadcast_in_dim3A_131 : i32 to vector<16xi32>
      %select_n3A_133 = arith.select %eq3A_130, %broadcast_in_dim3A_132, %broadcast_in_dim3A_129 : vector<16xi1>, vector<16xi32>
      %eq3A_134 = arith.cmpf oeq, %select_n3A_116, %max3A_127 : vector<16xf32>
      %broadcast_in_dim3A_135 = arith.constant 6 : i32
      %broadcast_in_dim3A_136 = vector.broadcast %broadcast_in_dim3A_135 : i32 to vector<16xi32>
      %select_n3A_137 = arith.select %eq3A_134, %broadcast_in_dim3A_136, %select_n3A_133 : vector<16xi1>, vector<16xi32>
      %eq3A_138 = arith.cmpf oeq, %select_n3A_112, %max3A_127 : vector<16xf32>
      %broadcast_in_dim3A_139 = arith.constant 5 : i32
      %broadcast_in_dim3A_140 = vector.broadcast %broadcast_in_dim3A_139 : i32 to vector<16xi32>
      %select_n3A_141 = arith.select %eq3A_138, %broadcast_in_dim3A_140, %select_n3A_137 : vector<16xi1>, vector<16xi32>
      %eq3A_142 = arith.cmpf oeq, %select_n3A_108, %max3A_127 : vector<16xf32>
      %broadcast_in_dim3A_143 = arith.constant 4 : i32
      %broadcast_in_dim3A_144 = vector.broadcast %broadcast_in_dim3A_143 : i32 to vector<16xi32>
      %select_n3A_145 = arith.select %eq3A_142, %broadcast_in_dim3A_144, %select_n3A_141 : vector<16xi1>, vector<16xi32>
      %eq3A_146 = arith.cmpf oeq, %select_n3A_104, %max3A_127 : vector<16xf32>
      %broadcast_in_dim3A_147 = arith.constant 3 : i32
      %broadcast_in_dim3A_148 = vector.broadcast %broadcast_in_dim3A_147 : i32 to vector<16xi32>
      %select_n3A_149 = arith.select %eq3A_146, %broadcast_in_dim3A_148, %select_n3A_145 : vector<16xi1>, vector<16xi32>
      %eq3A_150 = arith.cmpf oeq, %select_n3A_100, %max3A_127 : vector<16xf32>
      %broadcast_in_dim3A_151 = arith.constant 2 : i32
      %broadcast_in_dim3A_152 = vector.broadcast %broadcast_in_dim3A_151 : i32 to vector<16xi32>
      %select_n3A_153 = arith.select %eq3A_150, %broadcast_in_dim3A_152, %select_n3A_149 : vector<16xi1>, vector<16xi32>
      %eq3A_154 = arith.cmpf oeq, %select_n3A_96, %max3A_127 : vector<16xf32>
      %broadcast_in_dim3A_155 = arith.constant 1 : i32
      %broadcast_in_dim3A_156 = vector.broadcast %broadcast_in_dim3A_155 : i32 to vector<16xi32>
      %select_n3A_157 = arith.select %eq3A_154, %broadcast_in_dim3A_156, %select_n3A_153 : vector<16xi1>, vector<16xi32>
      %eq3A_158 = arith.cmpf oeq, %select_n3A_92, %max3A_127 : vector<16xf32>
      %broadcast_in_dim3A_159 = arith.constant 0 : i32
      %broadcast_in_dim3A_160 = vector.broadcast %broadcast_in_dim3A_159 : i32 to vector<16xi32>
      %select_n3A_161 = arith.select %eq3A_158, %broadcast_in_dim3A_160, %select_n3A_157 : vector<16xi1>, vector<16xi32>
      %swap3A = arith.index_cast %mul3A_10 : i32 to index
      %swap3A_162 = tpu.vector_load %arg8[%swap3A] {strides = array<i32>} : memref<512xf32, #tpu.memory_space<vmem>>, vector<16xf32>,
      %swap3A_163 = vector.shape_cast %swap3A_162 : vector<16xf32> to vector<16xf32>
      %swap3A_164 = vector.shape_cast %max3A_55 : vector<16xf32> to vector<16xf32>
      tpu.vector_store %arg8[%swap3A], %swap3A_164 {strides = array<i32>} : memref<512xf32, #tpu.memory_space<vmem>>, vector<16xf32>,
      %swap3A_165 = arith.index_cast %mul3A_10 : i32 to index
      %swap3A_166 = tpu.vector_load %arg9[%swap3A_165] {strides = array<i32>} : memref<512xf32, #tpu.memory_space<vmem>>, vector<16xf32>,
      %swap3A_167 = vector.shape_cast %swap3A_166 : vector<16xf32> to vector<16xf32>
      %swap3A_168 = vector.shape_cast %max3A_127 : vector<16xf32> to vector<16xf32>
      tpu.vector_store %arg9[%swap3A_165], %swap3A_168 {strides = array<i32>} : memref<512xf32, #tpu.memory_space<vmem>>, vector<16xf32>,
      %swap3A_169 = arith.index_cast %mul3A_10 : i32 to index
      %swap3A_170 = tpu.vector_load %arg10[%swap3A_169] {strides = array<i32>} : memref<512xi32, #tpu.memory_space<vmem>>, vector<16xi32>,
      %swap3A_171 = vector.shape_cast %swap3A_170 : vector<16xi32> to vector<16xi32>
      %swap3A_172 = vector.shape_cast %select_n3A_86 : vector<16xi32> to vector<16xi32>
      tpu.vector_store %arg10[%swap3A_169], %swap3A_172 {strides = array<i32>} : memref<512xi32, #tpu.memory_space<vmem>>, vector<16xi32>,
      %swap3A_173 = arith.index_cast %mul3A_10 : i32 to index
      %swap3A_174 = tpu.vector_load %arg11[%swap3A_173] {strides = array<i32>} : memref<512xi32, #tpu.memory_space<vmem>>, vector<16xi32>,
      %swap3A_175 = vector.shape_cast %swap3A_174 : vector<16xi32> to vector<16xi32>
      %swap3A_176 = vector.shape_cast %select_n3A_161 : vector<16xi32> to vector<16xi32>
      tpu.vector_store %arg11[%swap3A_173], %swap3A_176 {strides = array<i32>} : memref<512xi32, #tpu.memory_space<vmem>>, vector<16xi32>,
    }
    %scan3A_7 = arith.constant 32 : i32
    "tpu.region"() ({
      %run_scoped3A = tpu.sem_alloc : memref<!tpu.dma_semaphore, #tpu.memory_space<semaphore_mem>>
      %dma_start3A = tpu.memref_slice %arg3[%mul3A_2] : memref<16384xf32, #tpu.memory_space<hbm>> -> memref<512xf32, #tpu.memory_space<hbm>>
      %dma_start3A_8 = tpu.memref_slice %arg3[%mul3A_2] : memref<16384xf32, #tpu.memory_space<hbm>> -> memref<512xf32, #tpu.memory_space<hbm>>
      tpu.enqueue_dma source(%arg8 : memref<512xf32, #tpu.memory_space<vmem>>) target(%dma_start3A_8 : memref<512xf32, #tpu.memory_space<hbm>>) target_semaphore(%run_scoped3A : memref<!tpu.dma_semaphore, #tpu.memory_space<semaphore_mem>>)
      %dma_wait3A = tpu.memref_slice %arg3[%mul3A_2] : memref<16384xf32, #tpu.memory_space<hbm>> -> memref<512xf32, #tpu.memory_space<hbm>>
      %dma_wait3A_9 = tpu.memref_slice %arg3[%mul3A_2] : memref<16384xf32, #tpu.memory_space<hbm>> -> memref<512xf32, #tpu.memory_space<hbm>>
      tpu.wait_dma2 semaphore(%run_scoped3A : memref<!tpu.dma_semaphore, #tpu.memory_space<semaphore_mem>>) src(%arg8 : memref<512xf32, #tpu.memory_space<vmem>>) dst(%dma_wait3A_9 : memref<512xf32, #tpu.memory_space<hbm>>)
      tpu.yield
    }) : () -> ()
    "tpu.region"() ({
      %run_scoped3A = tpu.sem_alloc : memref<!tpu.dma_semaphore, #tpu.memory_space<semaphore_mem>>
      %dma_start3A = tpu.memref_slice %arg4[%mul3A_2] : memref<16384xf32, #tpu.memory_space<hbm>> -> memref<512xf32, #tpu.memory_space<hbm>>
      %dma_start3A_8 = tpu.memref_slice %arg4[%mul3A_2] : memref<16384xf32, #tpu.memory_space<hbm>> -> memref<512xf32, #tpu.memory_space<hbm>>
      tpu.enqueue_dma source(%arg9 : memref<512xf32, #tpu.memory_space<vmem>>) target(%dma_start3A_8 : memref<512xf32, #tpu.memory_space<hbm>>) target_semaphore(%run_scoped3A : memref<!tpu.dma_semaphore, #tpu.memory_space<semaphore_mem>>)
      %dma_wait3A = tpu.memref_slice %arg4[%mul3A_2] : memref<16384xf32, #tpu.memory_space<hbm>> -> memref<512xf32, #tpu.memory_space<hbm>>
      %dma_wait3A_9 = tpu.memref_slice %arg4[%mul3A_2] : memref<16384xf32, #tpu.memory_space<hbm>> -> memref<512xf32, #tpu.memory_space<hbm>>
      tpu.wait_dma2 semaphore(%run_scoped3A : memref<!tpu.dma_semaphore, #tpu.memory_space<semaphore_mem>>) src(%arg9 : memref<512xf32, #tpu.memory_space<vmem>>) dst(%dma_wait3A_9 : memref<512xf32, #tpu.memory_space<hbm>>)
      tpu.yield
    }) : () -> ()
    "tpu.region"() ({
      %run_scoped3A = tpu.sem_alloc : memref<!tpu.dma_semaphore, #tpu.memory_space<semaphore_mem>>
      %dma_start3A = tpu.memref_slice %arg5[%mul3A_2] : memref<16384xi32, #tpu.memory_space<hbm>> -> memref<512xi32, #tpu.memory_space<hbm>>
      %dma_start3A_8 = tpu.memref_slice %arg5[%mul3A_2] : memref<16384xi32, #tpu.memory_space<hbm>> -> memref<512xi32, #tpu.memory_space<hbm>>
      tpu.enqueue_dma source(%arg10 : memref<512xi32, #tpu.memory_space<vmem>>) target(%dma_start3A_8 : memref<512xi32, #tpu.memory_space<hbm>>) target_semaphore(%run_scoped3A : memref<!tpu.dma_semaphore, #tpu.memory_space<semaphore_mem>>)
      %dma_wait3A = tpu.memref_slice %arg5[%mul3A_2] : memref<16384xi32, #tpu.memory_space<hbm>> -> memref<512xi32, #tpu.memory_space<hbm>>
      %dma_wait3A_9 = tpu.memref_slice %arg5[%mul3A_2] : memref<16384xi32, #tpu.memory_space<hbm>> -> memref<512xi32, #tpu.memory_space<hbm>>
      tpu.wait_dma2 semaphore(%run_scoped3A : memref<!tpu.dma_semaphore, #tpu.memory_space<semaphore_mem>>) src(%arg10 : memref<512xi32, #tpu.memory_space<vmem>>) dst(%dma_wait3A_9 : memref<512xi32, #tpu.memory_space<hbm>>)
      tpu.yield
    }) : () -> ()
    "tpu.region"() ({
      %run_scoped3A = tpu.sem_alloc : memref<!tpu.dma_semaphore, #tpu.memory_space<semaphore_mem>>
      %dma_start3A = tpu.memref_slice %arg6[%mul3A_2] : memref<16384xi32, #tpu.memory_space<hbm>> -> memref<512xi32, #tpu.memory_space<hbm>>
      %dma_start3A_8 = tpu.memref_slice %arg6[%mul3A_2] : memref<16384xi32, #tpu.memory_space<hbm>> -> memref<512xi32, #tpu.memory_space<hbm>>
      tpu.enqueue_dma source(%arg11 : memref<512xi32, #tpu.memory_space<vmem>>) target(%dma_start3A_8 : memref<512xi32, #tpu.memory_space<hbm>>) target_semaphore(%run_scoped3A : memref<!tpu.dma_semaphore, #tpu.memory_space<semaphore_mem>>)
      %dma_wait3A = tpu.memref_slice %arg6[%mul3A_2] : memref<16384xi32, #tpu.memory_space<hbm>> -> memref<512xi32, #tpu.memory_space<hbm>>
      %dma_wait3A_9 = tpu.memref_slice %arg6[%mul3A_2] : memref<16384xi32, #tpu.memory_space<hbm>> -> memref<512xi32, #tpu.memory_space<hbm>>
      tpu.wait_dma2 semaphore(%run_scoped3A : memref<!tpu.dma_semaphore, #tpu.memory_space<semaphore_mem>>) src(%arg11 : memref<512xi32, #tpu.memory_space<vmem>>) dst(%dma_wait3A_9 : memref<512xi32, #tpu.memory_space<hbm>>)
      tpu.yield
    }) : () -> ()
    return
  }
}

module attributes {stable_mosaic.version = 14 : i64} {
  func.func @_score_body(%arg0: i32, %arg1: memref<2048x2048xf32, #tpu.memory_space<vmem>>, %arg2: memref<8x2048xf32, #tpu.memory_space<vmem>>, %arg3: memref<8x2048xf32, #tpu.memory_space<vmem>>) attributes {dimension_semantics = [#tpu.dimension_semantics<parallel>], iteration_bounds = array<i64: 8>, scalar_prefetch = 0 : i64, scratch_operands = 0 : i64, tpu.core_type = #tpu.core_type<tc>, window_params = [{transform_indices = @transform_0, window_bounds = array<i64: 2048, 2048>}, {pipeline_mode = #tpu.pipeline_mode<synchronous>, transform_indices = @transform_1, window_bounds = array<i64: 8, 2048>}, {transform_indices = @transform_2, window_bounds = array<i64: 8, 2048>}]} {
    %get3A = arith.constant 0 : index
    %get3A_0 = arith.constant 0 : index
    %get3A_1 = vector.load %arg1[%get3A, %get3A_0] : memref<2048x2048xf32, #tpu.memory_space<vmem>>, vector<2048x2048xf32>
    %get3A_2 = arith.constant 0 : index
    %get3A_3 = arith.constant 0 : index
    %get3A_4 = vector.load %arg2[%get3A_2, %get3A_3] : memref<8x2048xf32, #tpu.memory_space<vmem>>, vector<8x2048xf32>
    %dot_general3A = arith.constant dense<0.000000e+00> : vector<8x2048xf32>
    %dot_general3A_5 = tpu.matmul %get3A_4, %get3A_1, %dot_general3A {dimension_numbers = #tpu.dot_dimension_numbers<[1], [1], [0], [0], [0, 0, 1, 0], [], []>, transpose_lhs_hint = false} : vector<8x2048xf32>, vector<2048x2048xf32>, vector<8x2048xf32> -> vector<8x2048xf32>
    %reduce_max3A = arith.constant dense<0xFF800000> : vector<2048xf32>
    %reduce_max3A_6 = vector.multi_reduction <maximumf>, %dot_general3A_5, %reduce_max3A [0] : vector<8x2048xf32> to vector<2048xf32>
    %broadcast_in_dim3A = vector.shape_cast %reduce_max3A_6 : vector<2048xf32> to vector<1x2048xf32>
    %sub3A = vector.broadcast %broadcast_in_dim3A : vector<1x2048xf32> to vector<8x2048xf32>
    %sub3A_7 = arith.subf %dot_general3A_5, %sub3A : vector<8x2048xf32>
    %exp3A = math.exp %sub3A_7 : vector<8x2048xf32>
    %reduce_sum3A = arith.constant dense<0.000000e+00> : vector<2048xf32>
    %reduce_sum3A_8 = vector.multi_reduction <add>, %exp3A, %reduce_sum3A [0] : vector<8x2048xf32> to vector<2048xf32>
    %broadcast_in_dim3A_9 = vector.shape_cast %reduce_sum3A_8 : vector<2048xf32> to vector<1x2048xf32>
    %div3A = vector.broadcast %broadcast_in_dim3A_9 : vector<1x2048xf32> to vector<8x2048xf32>
    %div3A_10 = arith.divf %exp3A, %div3A : vector<8x2048xf32>
    %swap3A = arith.constant 0 : index
    %swap3A_11 = arith.constant 0 : index
    %swap3A_12 = vector.load %arg3[%swap3A, %swap3A_11] : memref<8x2048xf32, #tpu.memory_space<vmem>>, vector<8x2048xf32>
    tpu.vector_store %arg3[%swap3A, %swap3A_11], %div3A_10 {strides = array<i32>} : memref<8x2048xf32, #tpu.memory_space<vmem>>, vector<8x2048xf32>,
    return
  }
  func.func @transform_0(%arg0: i32) -> (i32, i32) {
    %c0_i32 = arith.constant 0 : i32
    %c0_i32_0 = arith.constant 0 : i32
    return %arg0, %c0_i32 : i32, i32
  }
  func.func @transform_1(%arg0: i32) -> (i32, i32) {
    %c0_i32 = arith.constant 0 : i32
    %c0_i32_0 = arith.constant 0 : i32
    %c0_i32_1 = arith.constant 0 : i32
    return %c0_i32, %c0_i32_0 : i32, i32
  }
  func.func @transform_2(%arg0: i32) -> (i32, i32) {
    %c0_i32 = arith.constant 0 : i32
    %c0_i32_0 = arith.constant 0 : i32
    return %c0_i32, %arg0 : i32, i32
  }
}

</mosaic_0001>

<sc_bundles>
// kernel: kernel.4.cloned.1.call-start
scs
__scs_entry_jumppad:
0x0: {  	(pc) =	sbr.rel $0x88, $3  }
0x1: {  	(tag) =	ssettag $0x0;
	lr =	simm.s32 $0x1  }
0x2: {  	[smem:$0x3F9F] =	sst lr;
	_ =	strace $0xD0000000  }
0x3: {  	_ = 	snop  }
0x4: {  	_ = 	snop  }
0x5: {  	_ = 	snop  }
0x6: {  	_ = 	snop  }
0x7: {  	_ = 	snop  }
__scs_overlays_trampoline_lowered:
0x8: {  	[smem:$0x3FAE] =	sst s0  }
0x9: {  	[smem:$0x3FAF] =	sst s1  }
0xa: {  	[smem:$0x3FB0] =	sst s2  }
0xb: {  	[smem:$0x3FB1] =	sst s3  }
0xc: {  	[smem:$0x3FB2] =	sst s4  }
0xd: {  	[smem:$0x3FB3] =	sst s5  }
0xe: {  	[smem:$0x3FB4] =	sst s6  }
0xf: {  	[smem:$0x3FB5] =	sst s7  }
0x10: {  	[smem:$0x3FB6] =	sst s8  }
0x11: {  	[smem:$0x3FB7] =	sst s9;
	s0 =	simm.s32 @!p0 $0x0  }
0x12: {  	s1 =	sld [smem:$0x3F9D];
	s0 =	simm.s32 @p0 $0x1  }
0x13: {  	[smem:$0x3FB8] =	sst s0;
	s0 =	simm.s32 @!p1 $0x0  }
0x14: {  	s2 =	sld [smem:$0x3F9C];
	s0 =	simm.s32 @p1 $0x1  }
0x15: {  	[smem:$0x3FB9] =	sst s0;
	s0 =	simm.s32 @!p2 $0x0  }
0x16: {  	s3 =	sld [smem:$0x3FDB];
	s0 =	simm.s32 @p2 $0x1  }
0x17: {  	s4 =	simm.s32 $0x1BF5;
	[smem:$0x3FBB] =	sst s0  }
0x18: {  	s0 =	sld [smem:$0x3F9E];
	_ =	swait.ge [sflag:s4], $0x0  }
0x19: {  	s7 =	sld [smem:$0x3F9F]  }
0x1a: {  	s8 =	sadd.s32 $0xFFFFE003, lr  }
0x1b: {  	s9 =	sadd.s32 $0xFFFFFEF7, lr;
	s5 =	simm.s32 $0xFFFFFFFF;
	p2 =	slt.u32 s8, $0xFFFFF086  }
0x1c: {  	p1 =	slt.u32 s9, $0xF7A;
	s5 =	simm.s32 @!p2 $0x0  }
0x1d: {  	s5 =	simm.s32 @p1 $0x1;
	p0 =	seq.s32 s7, s2  }
0x1e: {  	s7 =	smul.u32 @!p0 $0xF7A, s2;
	p2 =	seq.s32 @!p0 s5, $0x0  }
0x1f: {  	s9 =	smul.u32 $0xF7A, s1;
	s8 =	simm.s32 @!p0 $0x1BF5;
	p2 =	por !p2, p0  }
0x20: {  	[sflag:s8] =	ssyncset.s32 @!p0 $0xFFFFF086;
	s6 =	sadd.s32 @!p0 s3, s7;
	s7 =	simm.s32 @!p0 $0x108  }
0x21: {  	s3 =	sadd.s32 s3, s9;
	s6 =	sadd.s32 @!p0 $0x88, s6;
	s7 =	simm.s32 @p2 $0x1082  }
0x22: {  	[simem:s7], [sflag:s8] =	dma.local @!p0 [hbm:s6], $0xF7A  }
0x23: {  	s9 =	sor.u32 $0xD0000000, s2;
	s6 =	simm.s32 $0x108;
	_ =	swait.ge @!p0 [sflag:s8], $0x0  }
0x24: {  	s3 =	sadd.s32 $0x88, s3;
	s6 =	simm.s32 @!p1 $0x1082;
	[sflag:s4] =	ssyncset.s32 $0xFFFFF086  }
0x25: {  	[simem:s6], [sflag:s4] =	dma.local [hbm:s3], $0xF7A  }
0x26: {  	[smem:$0x3F9F] =	sst s1;
	(tag) =	ssettag s2;
	_ =	strace s9  }
0x27: {  	s1 =	sld [smem:$0x3FAF]  }
0x28: {  	s2 =	sld [smem:$0x3FB0]  }
0x29: {  	s4 =	sld [smem:$0x3FB2]  }
0x2a: {  	p0 =	seq.s32 s5, $0x0;
	s5 =	sld [smem:$0x3FB3]  }
0x2b: {  	s6 =	sld [smem:$0x3FB4]  }
0x2c: {  	s7 =	sld [smem:$0x3FB5]  }
0x2d: {  	s3 =	simm.s32 $0x108;
	s8 =	sld [smem:$0x3FB6]  }
0x2e: {  	s3 =	simm.s32 @!p0 $0x1082;
	s9 =	sld [smem:$0x3FB7]  }
0x2f: {  	lr =	sadd.s32 s0, s3;
	s0 =	sld [smem:$0x3FAE]  }
0x30: {  	s3 =	sld [smem:$0x3FB1]  }
0x31: {  	[smem:$0x3FBA] =	sst s10  }
0x32: {  	s10 =	sld [smem:$0x3FB8];
	_ =	sdelay $0x3  }
0x33: {  	p0 =	seq.s32 s10, $0x1;
	s10 =	sld [smem:$0x3FBA];
	_ =	sdelay $0x3  }
0x34: {  	[smem:$0x3FBA] =	sst s10  }
0x35: {  	s10 =	sld [smem:$0x3FB9];
	_ =	sdelay $0x3  }
0x36: {  	p1 =	seq.s32 s10, $0x1;
	s10 =	sld [smem:$0x3FBA];
	_ =	sdelay $0x3  }
0x37: {  	[smem:$0x3FBA] =	sst s10  }
0x38: {  	s10 =	sld [smem:$0x3FBB]  }
0x39: {  	_ = 	snop;
	(pc) =	sbr.ind lr, $3  }
0x3a: {  	_ = 	snop  }
0x3b: {  	_ = 	snop  }
0x3c: {  	p2 =	seq.s32 s10, $0x1;
	s10 =	sld [smem:$0x3FBA]  }
0x3d: {  	_ =	shalt  }
0x3e: {  	_ =	shalt  }
0x3f: {  	_ =	shalt  }
0x40: {  	_ =	shalt  }
0x41: {  	_ =	shalt  }
0x42: {  	_ =	shalt  }
0x43: {  	_ =	shalt  }
0x44: {  	_ =	shalt  }
0x45: {  	_ =	shalt  }
0x46: {  	_ =	shalt  }
0x47: {  	_ =	shalt  }
0x48: {  	_ =	shalt  }
0x49: {  	_ =	shalt  }
0x4a: {  	_ =	shalt  }
0x4b: {  	_ =	shalt  }
0x4c: {  	_ =	shalt  }
0x4d: {  	_ =	shalt  }
0x4e: {  	_ =	shalt  }
0x4f: {  	_ =	shalt  }
0x50: {  	_ =	shalt  }
0x51: {  	_ =	shalt  }
0x52: {  	_ =	shalt  }
0x53: {  	_ =	shalt  }
0x54: {  	_ =	shalt  }
0x55: {  	_ =	shalt  }
0x56: {  	_ =	shalt  }
0x57: {  	_ =	shalt  }
0x58: {  	_ =	shalt  }
0x59: {  	_ =	shalt  }
0x5a: {  	_ =	shalt  }
0x5b: {  	_ =	shalt  }
0x5c: {  	_ =	shalt  }
0x5d: {  	_ =	shalt  }
0x5e: {  	_ =	shalt  }
0x5f: {  	_ =	shalt  }
0x60: {  	_ =	shalt  }
0x61: {  	_ =	shalt  }
0x62: {  	_ =	shalt  }
0x63: {  	_ =	shalt  }
0x64: {  	_ =	shalt  }
0x65: {  	_ =	shalt  }
0x66: {  	_ =	shalt  }
0x67: {  	_ =	shalt  }
0x68: {  	_ =	shalt  }
0x69: {  	_ =	shalt  }
0x6a: {  	_ =	shalt  }
0x6b: {  	_ =	shalt  }
0x6c: {  	_ =	shalt  }
0x6d: {  	_ =	shalt  }
0x6e: {  	_ =	shalt  }
0x6f: {  	_ =	shalt  }
0x70: {  	_ =	shalt  }
0x71: {  	_ =	shalt  }
0x72: {  	_ =	shalt  }
0x73: {  	_ =	shalt  }
0x74: {  	_ =	shalt  }
0x75: {  	_ =	shalt  }
0x76: {  	_ =	shalt  }
0x77: {  	_ =	shalt  }
0x78: {  	_ =	shalt  }
0x79: {  	_ =	shalt  }
0x7a: {  	_ =	shalt  }
0x7b: {  	_ =	shalt  }
0x7c: {  	_ =	shalt  }
0x7d: {  	_ =	shalt  }
0x7e: {  	_ =	shalt  }
0x7f: {  	_ =	shalt  }
0x80: {  	_ =	shalt  }
0x81: {  	_ =	shalt  }
0x82: {  	_ =	shalt  }
0x83: {  	_ =	shalt  }
0x84: {  	_ =	shalt  }
0x85: {  	_ =	shalt  }
0x86: {  	_ =	shalt  }
0x87: {  	_ =	shalt  }
.Lfunc_end0:
.L_simem_size_0:
called_computation_lowered:
.L_overlay_start_0:
0x88: {  	s2 =	sld [smem:$0x3FD9]  }
0x89: {  	s3 =	sld [smem:$0x3FFE];
	_ =	sdelay $0x1  }
0x8a: {  	s1 =	srdreg.scid  }
0x8b: {  	s0 =	sand.u32 $0x1, s1  }
0x8c: {  	s14 =	sshll.u32 s0, $0xA;
	s2 =	sadd.s32 s3, s2  }
0x8d: {  	s2 =	sadd.s32 s2, s14  }
0x8e: {  	[smem:$0x3FC6] =	sst s2  }
0x8f: {  	_ = 	snop  }
0x90: {  	s2 =	sld [smem:$0x3FD0];
	_ =	sdelay $0x2  }
0x91: {  	s15 =	simm.s32 $0xA;
	s4 =	simm.s32 $0x10  }
0x92: {  	[smem:s4], [sflag:s15] =	dma.local [hbm:s2], $0x1  }
0x93: {  	_ =	swait.eq [sflag:s15], $0x1  }
0x94: {  	[sflag:s15] =	ssyncset.done $0x0  }
0x95: {  	[sflag:s15] =	ssyncadd.s32 $0xFFFFFFFF  }
0x96: {  	s16 =	sld [smem:$0x11];
	(tm) =	ssettm $0x1  }
0x97: {  	s17 =	sld [smem:$0x3FFB];
	_ =	sdelay $0x3  }
0x98: {  	_ =	strace s17  }
0x99: {  	s3 =	sld [smem:$0x3FFC];
	_ =	sdelay $0x3  }
0x9a: {  	_ =	strace s3  }
0x9b: {  	s3 =	sld [smem:$0x3FFD];
	_ =	sdelay $0x3  }
0x9c: {  	_ =	strace s3  }
0x9d: {  	_ =	strace $0x8FFFFFFF  }
0x9e: {  	s18 =	sld [smem:$0x3FDB];
	_ =	sdelay $0x1  }
0x9f: {  	s19 =	simm.s32 $_scs_section_size  }
0xa0: {  	s5 =	simm.s32 $_size__tile_overlayer_lowered;
	s6 =	simm.s32 $_tile_overlayer_lowered  }
0xa1: {  	s22 =	simm.s32 $0x1BFF;
	s21 =	sshll.u32 s6, $0x1;
	s3 =	sadd.s32 s19, s18  }
0xa2: {  	s7 =	simm.s32 $0x0;
	s20 =	sshll.u32 s5, $0x1;
	s5 =	sadd.s32 s21, s3  }
0xa3: {  	[timem:s7], [sflag:s22] =	dma.local [hbm:s5], s20  }
0xa4: {  	_ =	swait.ge [sflag:s22], s20  }
0xa5: {  	s4 =	ssub.s32 $0x0, s20;
	[sflag:s22] =	ssyncset.done $0x0  }
0xa6: {  	[sflag:s22] =	ssyncadd.s32 s4;
	_ =	sdelay $0x1  }
0xa7: {  	s23 =	simm.s32 $0x1B8B  }
0xa8: {  	_ =	swait.ge [sflag:s23], $0x1  }
0xa9: {  	[sflag:s23] =	ssyncset.done $0x0  }
0xaa: {  	s25 =	simm.s32 $0x1B8E;
	s24 =	sld [smem:$0x3FFE];
	[sflag:s23] =	ssyncadd.s32 $0xFFFFFFFF  }
0xab: {  	s26 =	simm.s32 $execute0_lowered;
	[smem:$0x3FD2] =	sst s25  }
0xac: {  	s5 =	sshll.u32 s26, $0x1;
	_ =	strace $0x80000046;
	[dreg:$0x1] =	wrdreg $0xFFFFFFFF  }
0xad: {  	s28 =	simm.s32 $_size_execute0_lowered;
	s3 =	sadd.s32 s3, s5;
	[dreg:$0x0] =	wrdreg $0x0  }
0xae: {  	s5 =	sshll.u32 s28, $0x1;
	[dreg:$0x2] =	wrdreg s3  }
0xaf: {  	[dreg:$0x3] =	wrdreg s5  }
0xb0: {  	[dreg:$0x4] =	wrdreg $0xC0  }
0xb1: {  	_ =	task [dreg:s7], $0x5FFFF  }
0xb2: {  	[dreg:$0x1] =	wrdreg $0xFFFFFFFF  }
0xb3: {  	[dreg:$0x0] =	wrdreg $0x60  }
0xb4: {  	[dreg:$0x2] =	wrdreg s24  }
0xb5: {  	[dreg:$0x3] =	wrdreg s16  }
0xb6: {  	[dreg:$0x4] =	wrdreg $0x9  }
0xb7: {  	_ =	task.clear_ibuf [dreg:s7], $0x5FFFF;
	_ =	strace $0x90000046  }
0xb8: {  	s29 =	simm.s32 $0x9;
	_ =	strace $0x80000048  }
0xb9: {  	_ =	swait.ge [sflag:s29], $0x1  }
0xba: {  	[sflag:s29] =	ssyncadd.s32 $0xFFFFFFFF  }
0xbb: {  	_ =	strace $0x90000048  }
0xbc: {  	_ =	sfence  }
0xbd: {  	s30 =	sld [smem:$0x0];
	_ =	sdelay $0x2  }
0xbe: {  	s31 =	sshll.u32 s1, $0xD;
	s1 =	sshrl.u32 s1, $0x2  }
0xbf: {  	s3 =	sand.u32 $0x4000, s31;
	s1 =	sadd.s32 s1, s30  }
0xc0: {  	s0 =	sor.u32 s3, s0;
	s1 =	sshll.u32 s1, $0x11  }
0xc1: {  	s0 =	sor.u32 s1, s0  }
0xc2: {  	s0 =	sadd.s32 $0x8F2B, s0  }
0xc3: {  	[sflag:s0] =	ssyncadd.remote.s32 $0x1  }
0xc4: {  	_ =	sfence.sel $0xFFFF  }
0xc5: {  	[dreg:$0x0] =	wrdreg $0xFFFFFFFF;
	(pc) =	sbr.abs _section_cstart, $3  }
0xc6: {  	[dreg:$0x1] =	wrdreg $0xFFFFFFFF  }
0xc7: {  	_ =	task.clear_ibuf [dreg:s7], $0x2FFFF;
	_ =	strace $0x9FFFFFFF  }
0xc8: {  	(tm) =	ssettm $0x7FFFFFFF  }
0xc9: {  	_ =	shalt  }
tec
execute0_lowered:
.L_overlay_start_1:
0x0: {  	(tag) =	ssettag $0x1  }
0x1: {  	s3 =	rddreg [dreg:$0x0]  }
0x2: {  	s4 =	rddreg [dreg:$0x1];
	s2 =	srdreg.scid  }
0x3: {  	s0 =	rddreg [dreg:$0x2];
	s1 =	stileid.u32;
	s10 =	simm.s32 $0x1000  }
0x4: {  	s11 =	simm.s32 $0x1200;
	s12 =	simm.s32 $0x1400;
	s13 =	simm.s32 $0x1600  }
0x5: {  	s14 =	simm.s32 $0x0;
	s5 =	sand.u32 $0x1, s2;
	s2 =	simm.s32 $0x0  }
0x6: {  	s6 =	sshll.u32 s1, $0xA;
	s7 =	sshll.u32 s5, $0x9;
	[smem:$0x7FF] =	sst s2  }
0x7: {  	s5 =	ssub.s32 $0x2, s5;
	s6 =	sor.u32 s7, s6;
	_ =	strace $0x80000047  }
0x8: {  	s8 =	sshrl.u32 s5, $0x1;
	s7 =	sshrl.u32 s6, $0x3;
	s6 =	sadd.s32 s6, s3  }
0x9: {  	s8 =	ssub.s32 s5, s8;
	s9 =	sadd.s32 s7, s3;
	s3 =	sadd.s32 $0xC00, s6  }
0xa: {  	s4 =	sadd.s32 s4, s7;
	s8 =	smax.u32 s8, $0x1;
	s5 =	sadd.s32 $0x4C00, s9  }
0xb: {  	v0 =	vimm.s32 $0x0;
	s6 =	sadd.s32 $0x5400, s9;
	s7 =	sadd.s32 $0x5C00, s9;
	s9 =	simm.s32 $0x1  }
.LBB2_1:
0xc: {  	[tilespmem:s2], [sflag:$0x1] =	stream.linear.gather [hbm4b:s3+s2], $0x1000, $0x38;
	[tilespmem:$0x1800] =	vst v63  }
0xd: {  	_ =	swait.ge [sflag:s9], $0x1000  }
0xe: {  	s15 =	sand.u32 $0x70, s2;
	s16 =	sand.u32 $0xC00, s2;
	[sflag:s9] =	ssyncset.done $0x0  }
0xf: {  	s15 =	sor.u32 s15, s16;
	[sflag:s9] =	ssyncadd.s32 $0xFFFFF000  }
0x10: {  	v1 =	vld [tilespmem:s15+$0x0]  }
0x11: {  	v2 =	vld [tilespmem:s15+$0x80]  }
0x12: {  	v3 =	vld [tilespmem:s15+$0x100]  }
0x13: {  	v4 =	vld [tilespmem:s15+$0x180]  }
0x14: {  	v5 =	vld [tilespmem:s15+$0x200]  }
0x15: {  	v6 =	vld [tilespmem:s15+$0x280]  }
0x16: {  	v7 =	vld [tilespmem:s15+$0x300];
	v8 =	vmax.f32 v1, v2  }
0x17: {  	v9 =	vld [tilespmem:s15+$0x380];
	v8 =	vmax.f32 v8, v3  }
0x18: {  	v8 =	vmax.f32 v8, v4  }
0x19: {  	v8 =	vmax.f32 v8, v5  }
0x1a: {  	v8 =	vmax.f32 v8, v6  }
0x1b: {  	v8 =	vmax.f32 v8, v7  }
0x1c: {  	v8 =	vmax.f32 v8, v9  }
0x1d: {  	vm0 =	veq.f32 v9, v8  }
0x1e: {  	vm1 =	veq.f32 v7, v8;
	v10 =	vsel vm0, $0x7, v0  }
0x1f: {  	vm0 =	veq.f32 v6, v8;
	v10 =	vsel vm1, $0x6, v10  }
0x20: {  	vm1 =	veq.f32 v5, v8;
	v10 =	vsel vm0, $0x5, v10  }
0x21: {  	vm0 =	veq.f32 v4, v8;
	v10 =	vsel vm1, $0x4, v10  }
0x22: {  	vm1 =	veq.f32 v3, v8;
	v10 =	vsel vm0, $0x3, v10  }
0x23: {  	vm0 =	veq.f32 v2, v8;
	v10 =	vsel vm1, $0x2, v10  }
0x24: {  	vm1 =	vne.f32 v1, v8;
	v10 =	vsel vm0, $0x1, v10  }
0x25: {  	v10 =	vnsel vm1, $0x0, v10  }
0x26: {  	vm0 =	vmand vm1, vm0;
	vm1 =	veq.s32 v10, $0x0  }
0x27: {  	v2 =	vsel vm0, $0xBF800000, v2;
	vm0 =	veq.s32 v10, $0x2;
	v1 =	vsel vm1, $0xBF800000, v1  }
0x28: {  	vm1 =	veq.s32 v10, $0x3;
	v3 =	vsel vm0, $0xBF800000, v3;
	v11 =	vmax.f32 v1, v2  }
0x29: {  	vm0 =	veq.s32 v10, $0x4;
	v4 =	vsel vm1, $0xBF800000, v4;
	v11 =	vmax.f32 v11, v3  }
0x2a: {  	vm1 =	veq.s32 v10, $0x5;
	v5 =	vsel vm0, $0xBF800000, v5;
	v11 =	vmax.f32 v11, v4  }
0x2b: {  	vm0 =	veq.s32 v10, $0x6;
	v6 =	vsel vm1, $0xBF800000, v6;
	v11 =	vmax.f32 v11, v5  }
0x2c: {  	vm1 =	veq.s32 v10, $0x7;
	v7 =	vsel vm0, $0xBF800000, v7;
	v11 =	vmax.f32 v11, v6  }
0x2d: {  	v9 =	vsel vm1, $0xBF800000, v9;
	v11 =	vmax.f32 v11, v7  }
0x2e: {  	v11 =	vmax.f32 v11, v9  }
0x2f: {  	vm0 =	veq.f32 v9, v11  }
0x30: {  	vm1 =	veq.f32 v7, v11;
	v60 =	vsel vm0, $0x7, v0  }
0x31: {  	vm0 =	veq.f32 v6, v11;
	v61 =	vsel vm1, $0x6, v60  }
0x32: {  	vm1 =	veq.f32 v5, v11;
	v62 =	vsel vm0, $0x5, v61  }
0x33: {  	s17 =	simm.s32 $0x1610;
	[tilespmem:s10+$0x0] =	vst v8;
	vm0 =	veq.f32 v4, v11;
	v63 =	vsel vm1, $0x4, v62  }
0x34: {  	s18 =	simm.s32 $0x0;
	s20 =	simm.s32 $0x1000;
	s21 =	simm.s32 $0x1200;
	[tilespmem:s11+$0x0] =	vst v11;
	vm2 =	veq.f32 v3, v11;
	v3 =	vsel vm0, $0x3, v63  }
0x35: {  	s19 =	simm.s32 $0x1600;
	s16 =	simm.s32 $0x1410;
	s15 =	simm.s32 $0x10;
	[tilespmem:s12+$0x0] =	vst v10;
	vm1 =	veq.f32 v2, v11;
	vm0 =	veq.f32 v1, v11;
	v1 =	vsel vm2, $0x2, v3  }
.LBB2_2:
0x36: {  	v1 =	vsel vm1, $0x1, v1;
	s18 =	sadd.s32 $0x80, s18;
	s20 =	sadd.s32 $0x10, s20;
	s21 =	sadd.s32 $0x10, s21  }
0x37: {  	s22 =	sand.u32 $0x70, s15;
	p0 =	sne.s32 s15, $0x1F0;
	s23 =	sand.u32 $0xC00, s18;
	v1 =	vsel vm0, $0x0, v1  }
0x38: {  	s15 =	sadd.s32 $0x10, s15;
	s22 =	sor.u32 s22, s23;
	[tilespmem:s19+$0x0] =	vst v1;
	s19 =	smov.u32 s17  }
0x39: {  	v1 =	vld [tilespmem:s22+$0x100]  }
0x3a: {  	v2 =	vld [tilespmem:s22+$0x0]  }
0x3b: {  	v3 =	vld [tilespmem:s22+$0x80]  }
0x3c: {  	v4 =	vld [tilespmem:s22+$0x180]  }
0x3d: {  	v5 =	vld [tilespmem:s22+$0x200]  }
0x3e: {  	v6 =	vld [tilespmem:s22+$0x280]  }
0x3f: {  	v7 =	vld [tilespmem:s22+$0x300]  }
0x40: {  	v8 =	vld [tilespmem:s22+$0x380];
	v9 =	vmax.f32 v2, v3  }
0x41: {  	v9 =	vmax.f32 v9, v1  }
0x42: {  	v9 =	vmax.f32 v9, v4  }
0x43: {  	v9 =	vmax.f32 v9, v5  }
0x44: {  	v9 =	vmax.f32 v9, v6  }
0x45: {  	v9 =	vmax.f32 v9, v7  }
0x46: {  	v9 =	vmax.f32 v9, v8  }
0x47: {  	vm0 =	veq.f32 v8, v9;
	vm1 =	veq.f32 v7, v9;
	vm2 =	veq.f32 v4, v9;
	[tilespmem:s20+$0x0] =	vst v9  }
0x48: {  	vm3 =	veq.f32 v1, v9;
	v10 =	vsel vm0, $0x7, v0;
	vm0 =	veq.f32 v6, v9  }
0x49: {  	vm4 =	veq.f32 v3, v9;
	v10 =	vsel vm1, $0x6, v10;
	vm1 =	veq.f32 v5, v9  }
0x4a: {  	v10 =	vsel vm0, $0x5, v10;
	vm0 =	vne.f32 v2, v9  }
0x4b: {  	v9 =	vsel vm1, $0x4, v10;
	vm1 =	vmand vm0, vm4  }
0x4c: {  	v9 =	vsel vm2, $0x3, v9  }
0x4d: {  	v9 =	vsel vm3, $0x2, v9  }
0x4e: {  	v9 =	vsel vm4, $0x1, v9  }
0x4f: {  	v3 =	vsel vm1, $0xBF800000, v3;
	v9 =	vnsel vm0, $0x0, v9  }
0x50: {  	vm0 =	veq.s32 v9, $0x0;
	vm1 =	veq.s32 v9, $0x2;
	vm2 =	veq.s32 v9, $0x3  }
0x51: {  	v2 =	vsel vm0, $0xBF800000, v2;
	v1 =	vsel vm1, $0xBF800000, v1;
	vm0 =	veq.s32 v9, $0x4  }
0x52: {  	v4 =	vsel vm2, $0xBF800000, v4;
	vm1 =	veq.s32 v9, $0x5;
	v10 =	vmax.f32 v2, v3  }
0x53: {  	v5 =	vsel vm0, $0xBF800000, v5;
	vm0 =	veq.s32 v9, $0x6;
	v10 =	vmax.f32 v10, v1  }
0x54: {  	v6 =	vsel vm1, $0xBF800000, v6;
	vm1 =	veq.s32 v9, $0x7;
	v10 =	vmax.f32 v10, v4  }
0x55: {  	v7 =	vsel vm0, $0xBF800000, v7;
	v10 =	vmax.f32 v10, v5  }
0x56: {  	v8 =	vsel vm1, $0xBF800000, v8;
	v10 =	vmax.f32 v10, v6  }
0x57: {  	v10 =	vmax.f32 v10, v7  }
0x58: {  	v10 =	vmax.f32 v10, v8  }
0x59: {  	vm0 =	veq.f32 v8, v10;
	vm1 =	veq.f32 v7, v10;
	vm2 =	veq.f32 v5, v10;
	[tilespmem:s21+$0x0] =	vst v10  }
0x5a: {  	vm3 =	veq.f32 v6, v10;
	vm4 =	veq.f32 v4, v10;
	v5 =	vsel vm0, $0x7, v0;
	[tilespmem:s16+$0x0] =	vst v9  }
.Ltmp0:
0x5b: {  	vm5 =	veq.f32 v1, v10;
	vm0 =	veq.f32 v2, v10;
	v4 =	vsel vm1, $0x6, v5;
	(pc) =	sbr.rel @p0 .LBB2_2-.Ltmp0, $4  }
0x5c: {  	v1 =	vsel vm3, $0x5, v4  }
0x5d: {  	v1 =	vsel vm2, $0x4, v1  }
0x5e: {  	vm1 =	veq.f32 v3, v10;
	v1 =	vsel vm4, $0x3, v1  }
0x5f: {  	s17 =	sadd.s32 $0x10, s17;
	s16 =	sadd.s32 $0x10, s16;
	v1 =	vsel vm5, $0x2, v1  }
0x60: {  	v1 =	vsel vm1, $0x1, v1  }
0x61: {  	v1 =	vsel vm0, $0x0, v1  }
0x62: {  	[tilespmem:s19+$0x0] =	vst v1  }
0x63: {  	[hbm4b:s4+s2] =	stream.linear.scatter [tilespmem:s10], [sflag:$0x1], $0x200, $0x38;
	[tilespmem:$0x1800] =	vst v63  }
0x64: {  	_ =	swait.ge [sflag:s9], $0x200  }
0x65: {  	[sflag:s9] =	ssyncset.done $0x0  }
0x66: {  	[sflag:s9] =	ssyncadd.s32 $0xFFFFFE00  }
0x67: {  	[hbm4b:s5+s2] =	stream.linear.scatter [tilespmem:s11], [sflag:$0x1], $0x200, $0x38;
	[tilespmem:$0x1800] =	vst v63  }
0x68: {  	_ =	swait.ge [sflag:s9], $0x200  }
0x69: {  	[sflag:s9] =	ssyncset.done $0x0  }
0x6a: {  	[sflag:s9] =	ssyncadd.s32 $0xFFFFFE00  }
0x6b: {  	[hbm4b:s6+s2] =	stream.linear.scatter [tilespmem:s12], [sflag:$0x1], $0x200, $0x38;
	[tilespmem:$0x1800] =	vst v63  }
0x6c: {  	s14 =	sadd.s32 $0x1, s14;
	_ =	swait.ge [sflag:s9], $0x200  }
0x6d: {  	p0 =	sne.s32 s14, s8;
	[sflag:s9] =	ssyncset.done $0x0  }
.Ltmp1:
0x6e: {  	[sflag:s9] =	ssyncadd.s32 $0xFFFFFE00;
	(pc) =	sbr.rel @p0 .LBB2_1-.Ltmp1, $4  }
0x6f: {  	[hbm4b:s7+s2] =	stream.linear.scatter [tilespmem:s13], [sflag:$0x1], $0x200, $0x38;
	[tilespmem:$0x1800] =	vst v63  }
0x70: {  	_ =	swait.ge [sflag:s9], $0x200  }
0x71: {  	[sflag:s9] =	ssyncset.done $0x0  }
0x72: {  	[sflag:s9] =	ssyncadd.s32 $0xFFFFFE00  }
0x73: {  	_ =	sfence.sel $0x180000  }
0x74: {  	[bflag:$0x0] =	sbarrier.arrive $0xFFFF  }
0x75: {  	p0 =	sne.s32 s1, $0x0;
	_ =	strace $0x90000047  }
0x76: {  	s0 =	sadd.s32 @!p0 $0x100000, s0;
	[bflag:$0x2] =	sbarrier.arrive $0xFFFF  }
0x77: {  	[sflag:s0] =	ssyncadd.tile.s32 @!p0 $0x1;
	_ =	shalt  }
.Lfunc_end2:
_tile_overlayer_lowered:
.L_overlay_start_2:
0x78: {  	(tag) =	ssettag $0x2  }
0x79: {  	s0 =	rddreg [dreg:$0x0];
	s2 =	stileid.u32  }
0x7a: {  	s1 =	rddreg [dreg:$0x1];
	p0 =	sne.s32 s2, $0x0  }
0x7b: {  	s3 =	rddreg [dreg:$0x2];
	[bflag:$0x3] =	sbarrier.arrive $0xFFFF;
	s2 =	simm.s32 @!p0 $0x1C01  }
0x7c: {  	[timem:s3], [sflag:s2] =	dma.local @!p0 [hbm:s0], s1  }
0x7d: {  	s0 =	simm.s32 @!p0 $0x1  }
0x7e: {  	_ =	swait.ge @!p0 [sflag:s0], s1  }
0x7f: {  	s1 =	ssub.s32 @!p0 $0x0, s1;
	[sflag:s0] =	ssyncset.done @!p0 $0x0  }
0x80: {  	[sflag:s0] =	ssyncadd.s32 @!p0 s1  }
0x81: {  	[bflag:$0x3] =	sbarrier.arrive $0xFFFF  }
0x82: {  	_ =	shalt  }

</sc_bundles>
